<compile_context>
chip_gen: v7x
topology: tpu7x:2x2x1
jax: 0.10.2.dev20260603
libtpu: 0.0.44.dev20260713+nightly
codegen_flags: <defaults>
</compile_context>

<pallas_src>
import functools

import jax
import jax.numpy as jnp
from jax import lax
from jax.experimental import pallas as pl
from jax.experimental.pallas import tpu as pltpu
from jax.experimental.pallas import tpu_sc as plsc

_NUM_EMB = 8192
_DIM = 32
_COMMIT = 0.25

_ROWS_BLK = 1024
_CODE_CHUNK = 1024


def _argmin_body(z_ref, emb_ref, idx_ref, val_ref):
    zz = z_ref[...]
    zsq = jnp.sum(zz * zz, axis=1, keepdims=True)

    bv = jnp.full((_ROWS_BLK, 1), jnp.inf, jnp.float32)
    bi = jnp.zeros((_ROWS_BLK, 1), jnp.int32)
    for c in range(_NUM_EMB // _CODE_CHUNK):
        e = emb_ref[c * _CODE_CHUNK:(c + 1) * _CODE_CHUNK, :]
        esq = jnp.sum(e * e, axis=1)
        dot = lax.dot_general(zz, e, (((1,), (1,)), ((), ())),
                              preferred_element_type=jnp.float32)
        dist = (zsq + esq[None, :]) - 2.0 * dot
        cmin = jnp.min(dist, axis=1, keepdims=True)
        col = lax.broadcasted_iota(jnp.int32, dist.shape, 1)
        cidx = jnp.min(jnp.where(dist == cmin, col, _NUM_EMB),
                       axis=1, keepdims=True) + c * _CODE_CHUNK
        upd = cmin < bv
        bv = jnp.where(upd, cmin, bv)
        bi = jnp.where(upd, cidx, bi)
    idx_ref[...] = bi[:, 0]
    val_ref[...] = bv[:, 0]


def _argmin_call(flat, embedding):
    n_rows = flat.shape[0]
    return pl.pallas_call(
        _argmin_body,
        grid=(n_rows // _ROWS_BLK,),
        in_specs=[
            pl.BlockSpec((_ROWS_BLK, _DIM), lambda i: (i, 0)),
            pl.BlockSpec((_NUM_EMB, _DIM), lambda i: (0, 0)),
        ],
        out_specs=[
            pl.BlockSpec((_ROWS_BLK,), lambda i: (i,)),
            pl.BlockSpec((_ROWS_BLK,), lambda i: (i,)),
        ],
        out_shape=[
            jax.ShapeDtypeStruct((n_rows,), jnp.int32),
            jax.ShapeDtypeStruct((n_rows,), jnp.float32),
        ],
    )(flat, embedding)


def _sum_body(v_ref, s_ref):
    s_ref[0, 0] = jnp.sum(v_ref[...])


def _sum_call(vals2d):
    return pl.pallas_call(
        _sum_body,
        out_specs=pl.BlockSpec(memory_space=pltpu.SMEM),
        out_shape=jax.ShapeDtypeStruct((1, 1), jnp.float32),
    )(vals2d)


def _make_sc_gather(n_rows):
    info = plsc.get_sparse_core_info()
    nw = info.num_cores * info.num_subcores
    b_per_w = n_rows // nw
    mesh = plsc.VectorSubcoreMesh(core_axis_name="c", subcore_axis_name="s")

    @functools.partial(
        pl.kernel, mesh=mesh,
        compiler_params=pltpu.CompilerParams(use_tc_tiling_on_sc=False),
        out_type=jax.ShapeDtypeStruct((n_rows, _DIM), jnp.float32),
        scratch_types=[
            pltpu.VMEM((b_per_w,), jnp.int32),
            pltpu.VMEM((b_per_w, _DIM), jnp.float32),
            pltpu.SemaphoreType.DMA,
        ],
    )
    def gather_k(table_hbm, idx_hbm, out_hbm, idx_v, rows_v, sem):
        wid = lax.axis_index("s") * info.num_cores + lax.axis_index("c")
        base = wid * b_per_w
        pltpu.sync_copy(idx_hbm.at[pl.ds(base, b_per_w)], idx_v)
        pltpu.async_copy(table_hbm.at[idx_v], rows_v, sem).wait()
        pltpu.sync_copy(rows_v, out_hbm.at[pl.ds(base, b_per_w)])

    return gather_k


def kernel(z, embedding):
    b, n, c = z.shape
    flat = z.reshape(-1, c)
    idx_flat, min_dists = _argmin_call(flat, embedding)
    quant = _make_sc_gather(flat.shape[0])(embedding, idx_flat)
    loss_sum = _sum_call(min_dists.reshape(128, -1))
    vq_loss = (1.0 + _COMMIT) * loss_sum[0, 0] / jnp.float32(flat.size)
    return quant.reshape(z.shape), vq_loss, idx_flat.reshape(b, n)

# --- scband reference (transcript-rebuilt; emitter-appended) ---
"""Pipeline reference for scband-vector-quantizer-88227218194964 (READ-ONLY COPY).

The authoritative reference and input builder live on the scoring server;
editing this copy changes nothing except your own understanding.
"""

import jax, jax.numpy as jnp
import numpy as np

NUM_EMBEDDINGS = 8192
EMBEDDING_DIM = 32
COMMITMENT_COST = 0.25


def setup_inputs(seed: int = 0) -> dict:
    key = jax.random.key(seed)
    k_z, k_emb = jax.random.split(key)
    z = jax.random.normal(k_z, (16, 1024, EMBEDDING_DIM), dtype=jnp.float32)
    embedding = jax.random.normal(k_emb, (NUM_EMBEDDINGS, EMBEDDING_DIM), dtype=jnp.float32)
    return {"z": z, "embedding": embedding}


def reference(z, embedding):
    # 3D input path: (B, N, C)
    input_shape = z.shape
    z_flattened = z
    flat_input = z_flattened.reshape(-1, EMBEDDING_DIM)
    # distances: ||x||^2 + ||e||^2 - 2 x.e
    distances = (
        jnp.sum(flat_input ** 2, axis=1, keepdims=True)
        + jnp.sum(embedding ** 2, axis=1)
        - 2.0 * jnp.matmul(flat_input, embedding.T)
    )
    encoding_indices = jnp.argmin(distances, axis=1)
    encodings = jax.nn.one_hot(encoding_indices, NUM_EMBEDDINGS, dtype=jnp.float32)
    quantized = jnp.matmul(encodings, embedding).reshape(z_flattened.shape)
    # eval mode: no EMA update
    e_latent_loss = jnp.mean((jax.lax.stop_gradient(quantized) - z_flattened) ** 2)
    q_latent_loss = jnp.mean((quantized - jax.lax.stop_gradient(z_flattened)) ** 2)
    vq_loss = q_latent_loss + COMMITMENT_COST * e_latent_loss
    quantized_st = z_flattened + jax.lax.stop_gradient(quantized - z_flattened)
    encoding_indices_out = encoding_indices.reshape(input_shape[0], input_shape[1])
    return (quantized_st, vq_loss, encoding_indices_out)

if __name__ == "__main__":
    import jax
    _d = setup_inputs()
    print(jax.jit(kernel)(*tuple(_d.values())))

</pallas_src>

<mosaic_0001>
#map = affine_map<(d0, d1) -> (0, 0)>
#map1 = affine_map<(d0, d1) -> (0)>
module attributes {stable_mosaic.version = 14 : i64} {
  func.func @gather_k(%arg0: i32, %arg1: i32, %arg2: memref<8192x32xf32, #tpu.memory_space<hbm>>, %arg3: memref<16384xi32, #tpu.memory_space<hbm>>, %arg4: memref<16384x32xf32, #tpu.memory_space<hbm>>, %arg5: memref<512xi32, #tpu.memory_space<vmem>>, %arg6: memref<512x32xf32, #tpu.memory_space<vmem>>, %arg7: memref<!tpu.dma_semaphore, #tpu.memory_space<semaphore_mem>>) attributes {dimension_semantics = [#tpu.dimension_semantics<core_parallel>, #tpu.dimension_semantics<subcore_parallel>], iteration_bounds = array<i64: 2, 16>, scalar_prefetch = 0 : i64, scratch_operands = 3 : i64, tpu.core_type = #tpu.core_type<sc_vector_subcore>, window_params = [{transform_indices = #map}, {transform_indices = #map1}, {transform_indices = #map}]} {
    %mul3A = arith.constant 2 : i32
    %mul3A_0 = arith.muli %arg1, %mul3A : i32
    %add3A = arith.addi %mul3A_0, %arg0 : i32
    %mul3A_1 = arith.constant 512 : i32
    %mul3A_2 = arith.muli %add3A, %mul3A_1 : i32
    "tpu.region"() ({
      %run_scoped3A = tpu.sem_alloc : memref<!tpu.dma_semaphore, #tpu.memory_space<semaphore_mem>>
      %dma_start3A_7 = tpu.memref_slice %arg3[%mul3A_2] : memref<16384xi32, #tpu.memory_space<hbm>> -> memref<512xi32, #tpu.memory_space<hbm>>
      %dma_start3A_8 = tpu.memref_slice %arg3[%mul3A_2] : memref<16384xi32, #tpu.memory_space<hbm>> -> memref<512xi32, #tpu.memory_space<hbm>>
      tpu.enqueue_dma source(%dma_start3A_8 : memref<512xi32, #tpu.memory_space<hbm>>) target(%arg5 : memref<512xi32, #tpu.memory_space<vmem>>) target_semaphore(%run_scoped3A : memref<!tpu.dma_semaphore, #tpu.memory_space<semaphore_mem>>)
      %dma_wait3A_9 = tpu.memref_slice %arg3[%mul3A_2] : memref<16384xi32, #tpu.memory_space<hbm>> -> memref<512xi32, #tpu.memory_space<hbm>>
      %dma_wait3A_10 = tpu.memref_slice %arg3[%mul3A_2] : memref<16384xi32, #tpu.memory_space<hbm>> -> memref<512xi32, #tpu.memory_space<hbm>>
      tpu.wait_dma2 semaphore(%run_scoped3A : memref<!tpu.dma_semaphore, #tpu.memory_space<semaphore_mem>>) src(%dma_wait3A_10 : memref<512xi32, #tpu.memory_space<hbm>>) dst(%arg5 : memref<512xi32, #tpu.memory_space<vmem>>)
      tpu.yield
    }) : () -> ()
    %dma_start3A = arith.constant 0 : i32
    %dma_start3A_3 = arith.constant 0 : i32
    %dma_start3A_4 = tpu.memref_slice %arg2[%dma_start3A, %dma_start3A_3] : memref<8192x32xf32, #tpu.memory_space<hbm>> -> memref<8192x32xf32, #tpu.memory_space<hbm>>
    tpu.enqueue_indirect_dma source(%dma_start3A_4 : memref<8192x32xf32, #tpu.memory_space<hbm>>) target(%arg6 : memref<512x32xf32, #tpu.memory_space<vmem>>) offsets(%arg5 : memref<512xi32, #tpu.memory_space<vmem>>) semaphore(%arg7 : memref<!tpu.dma_semaphore, #tpu.memory_space<semaphore_mem>>)
    %dma_wait3A = arith.constant 0 : i32
    %dma_wait3A_5 = arith.constant 0 : i32
    %dma_wait3A_6 = tpu.memref_slice %arg2[%dma_wait3A, %dma_wait3A_5] : memref<8192x32xf32, #tpu.memory_space<hbm>> -> memref<8192x32xf32, #tpu.memory_space<hbm>>
    tpu.wait_indirect_dma semaphore(%arg7 : memref<!tpu.dma_semaphore, #tpu.memory_space<semaphore_mem>>) src(%dma_wait3A_6 : memref<8192x32xf32, #tpu.memory_space<hbm>>) dst(%arg6 : memref<512x32xf32, #tpu.memory_space<vmem>>)
    "tpu.region"() ({
      %run_scoped3A = tpu.sem_alloc : memref<!tpu.dma_semaphore, #tpu.memory_space<semaphore_mem>>
      %dma_start3A_7 = arith.constant 0 : i32
      %dma_start3A_8 = tpu.memref_slice %arg4[%mul3A_2, %dma_start3A_7] : memref<16384x32xf32, #tpu.memory_space<hbm>> -> memref<512x32xf32, #tpu.memory_space<hbm>>
      %dma_start3A_9 = arith.constant 0 : i32
      %dma_start3A_10 = tpu.memref_slice %arg4[%mul3A_2, %dma_start3A_9] : memref<16384x32xf32, #tpu.memory_space<hbm>> -> memref<512x32xf32, #tpu.memory_space<hbm>>
      tpu.enqueue_dma source(%arg6 : memref<512x32xf32, #tpu.memory_space<vmem>>) target(%dma_start3A_10 : memref<512x32xf32, #tpu.memory_space<hbm>>) target_semaphore(%run_scoped3A : memref<!tpu.dma_semaphore, #tpu.memory_space<semaphore_mem>>)
      %dma_wait3A_11 = arith.constant 0 : i32
      %dma_wait3A_12 = tpu.memref_slice %arg4[%mul3A_2, %dma_wait3A_11] : memref<16384x32xf32, #tpu.memory_space<hbm>> -> memref<512x32xf32, #tpu.memory_space<hbm>>
      %dma_wait3A_13 = arith.constant 0 : i32
      %dma_wait3A_14 = tpu.memref_slice %arg4[%mul3A_2, %dma_wait3A_13] : memref<16384x32xf32, #tpu.memory_space<hbm>> -> memref<512x32xf32, #tpu.memory_space<hbm>>
      tpu.wait_dma2 semaphore(%run_scoped3A : memref<!tpu.dma_semaphore, #tpu.memory_space<semaphore_mem>>) src(%arg6 : memref<512x32xf32, #tpu.memory_space<vmem>>) dst(%dma_wait3A_14 : memref<512x32xf32, #tpu.memory_space<hbm>>)
      tpu.yield
    }) : () -> ()
    return
  }
}

module attributes {stable_mosaic.version = 14 : i64} {
  func.func @_argmin_body(%arg0: i32, %arg1: memref<1024x32xf32, #tpu.memory_space<vmem>>, %arg2: memref<8192x32xf32, #tpu.memory_space<vmem>>, %arg3: memref<1024xi32, #tpu.memory_space<vmem>>, %arg4: memref<1024xf32, #tpu.memory_space<vmem>>) attributes {dimension_semantics = [#tpu.dimension_semantics<arbitrary>], iteration_bounds = array<i64: 16>, scalar_prefetch = 0 : i64, scratch_operands = 0 : i64, tpu.core_type = #tpu.core_type<tc>, window_params = [{transform_indices = @transform_0, window_bounds = array<i64: 1024, 32>}, {pipeline_mode = #tpu.pipeline_mode<synchronous>, transform_indices = @transform_1, window_bounds = array<i64: 8192, 32>}, {transform_indices = @transform_2, window_bounds = array<i64: 1024>}, {transform_indices = @transform_3, window_bounds = array<i64: 1024>}]} {
    %get3A = arith.constant 0 : index
    %get3A_0 = arith.constant 0 : index
    %get3A_1 = vector.load %arg1[%get3A, %get3A_0] : memref<1024x32xf32, #tpu.memory_space<vmem>>, vector<1024x32xf32>
    %mul3A = arith.mulf %get3A_1, %get3A_1 : vector<1024x32xf32>
    %reduce_sum3A = arith.constant dense<0.000000e+00> : vector<1024xf32>
    %reduce_sum3A_2 = vector.multi_reduction <add>, %mul3A, %reduce_sum3A [1] : vector<1024x32xf32> to vector<1024xf32>
    %broadcast_in_dim3A = vector.shape_cast %reduce_sum3A_2 : vector<1024xf32> to vector<1024x1xf32>
    %broadcast_in_dim3A_3 = arith.constant 0x7F800000 : f32
    %broadcast_in_dim3A_4 = vector.broadcast %broadcast_in_dim3A_3 : f32 to vector<1024x1xf32>
    %broadcast_in_dim3A_5 = arith.constant 0 : i32
    %broadcast_in_dim3A_6 = vector.broadcast %broadcast_in_dim3A_5 : i32 to vector<1024x1xi32>
    %get3A_7 = arith.constant 0 : index
    %get3A_8 = arith.constant 0 : index
    %get3A_9 = vector.load %arg2[%get3A_7, %get3A_8] : memref<8192x32xf32, #tpu.memory_space<vmem>>, vector<1024x32xf32>
    %mul3A_10 = arith.mulf %get3A_9, %get3A_9 : vector<1024x32xf32>
    %reduce_sum3A_11 = arith.constant dense<0.000000e+00> : vector<1024xf32>
    %reduce_sum3A_12 = vector.multi_reduction <add>, %mul3A_10, %reduce_sum3A_11 [1] : vector<1024x32xf32> to vector<1024xf32>
    %dot_general3A = arith.constant dense<0.000000e+00> : vector<1024x1024xf32>
    %dot_general3A_13 = tpu.matmul %get3A_1, %get3A_9, %dot_general3A {dimension_numbers = #tpu.dot_dimension_numbers<[1], [1], [0], [0], [0, 0, 1, 0], [], []>, transpose_lhs_hint = false} : vector<1024x32xf32>, vector<1024x32xf32>, vector<1024x1024xf32> -> vector<1024x1024xf32>
    %broadcast_in_dim3A_14 = vector.shape_cast %reduce_sum3A_12 : vector<1024xf32> to vector<1x1024xf32>
    %add3A = vector.broadcast %broadcast_in_dim3A : vector<1024x1xf32> to vector<1024x1024xf32>
    %add3A_15 = vector.broadcast %broadcast_in_dim3A_14 : vector<1x1024xf32> to vector<1024x1024xf32>
    %add3A_16 = arith.addf %add3A, %add3A_15 : vector<1024x1024xf32>
    %mul3A_17 = arith.constant 2.000000e+00 : f32
    %mul3A_18 = vector.broadcast %mul3A_17 : f32 to vector<1024x1024xf32>
    %mul3A_19 = arith.mulf %mul3A_18, %dot_general3A_13 : vector<1024x1024xf32>
    %sub3A = arith.subf %add3A_16, %mul3A_19 : vector<1024x1024xf32>
    %reduce_min3A = arith.constant dense<0x7F800000> : vector<1024xf32>
    %reduce_min3A_20 = vector.multi_reduction <minimumf>, %sub3A, %reduce_min3A [1] : vector<1024x1024xf32> to vector<1024xf32>
    %broadcast_in_dim3A_21 = vector.shape_cast %reduce_min3A_20 : vector<1024xf32> to vector<1024x1xf32>
    %iota3A = tpu.iota {dimensions = array<i32: 1>} : vector<1024x1024xi32>
    %eq3A = vector.broadcast %broadcast_in_dim3A_21 : vector<1024x1xf32> to vector<1024x1024xf32>
    %eq3A_22 = arith.cmpf oeq, %sub3A, %eq3A : vector<1024x1024xf32>
    %jit3A = arith.constant 8192 : i32
    %broadcast_in_dim3A_23 = vector.broadcast %jit3A : i32 to vector<1024x1024xi32>
    %select_n3A = arith.select %eq3A_22, %iota3A, %broadcast_in_dim3A_23 : vector<1024x1024xi1>, vector<1024x1024xi32>
    %reduce_min3A_24 = arith.constant dense<2147483647> : vector<1024xi32>
    %reduce_min3A_25 = vector.multi_reduction <minsi>, %select_n3A, %reduce_min3A_24 [1] : vector<1024x1024xi32> to vector<1024xi32>
    %broadcast_in_dim3A_26 = vector.shape_cast %reduce_min3A_25 : vector<1024xi32> to vector<1024x1xi32>
    %add3A_27 = arith.constant 0 : i32
    %add3A_28 = vector.broadcast %add3A_27 : i32 to vector<1024x1xi32>
    %add3A_29 = arith.addi %broadcast_in_dim3A_26, %add3A_28 : vector<1024x1xi32>
    %lt3A = arith.cmpf olt, %broadcast_in_dim3A_21, %broadcast_in_dim3A_4 : vector<1024x1xf32>
    %select_n3A_30 = arith.select %lt3A, %broadcast_in_dim3A_21, %broadcast_in_dim3A_4 : vector<1024x1xi1>, vector<1024x1xf32>
    %select_n3A_31 = arith.select %lt3A, %add3A_29, %broadcast_in_dim3A_6 : vector<1024x1xi1>, vector<1024x1xi32>
    %get3A_32 = arith.constant 1024 : index
    %get3A_33 = arith.constant 0 : index
    %get3A_34 = vector.load %arg2[%get3A_32, %get3A_33] : memref<8192x32xf32, #tpu.memory_space<vmem>>, vector<1024x32xf32>
    %mul3A_35 = arith.mulf %get3A_34, %get3A_34 : vector<1024x32xf32>
    %reduce_sum3A_36 = arith.constant dense<0.000000e+00> : vector<1024xf32>
    %reduce_sum3A_37 = vector.multi_reduction <add>, %mul3A_35, %reduce_sum3A_36 [1] : vector<1024x32xf32> to vector<1024xf32>
    %dot_general3A_38 = arith.constant dense<0.000000e+00> : vector<1024x1024xf32>
    %dot_general3A_39 = tpu.matmul %get3A_1, %get3A_34, %dot_general3A_38 {dimension_numbers = #tpu.dot_dimension_numbers<[1], [1], [0], [0], [0, 0, 1, 0], [], []>, transpose_lhs_hint = false} : vector<1024x32xf32>, vector<1024x32xf32>, vector<1024x1024xf32> -> vector<1024x1024xf32>
    %broadcast_in_dim3A_40 = vector.shape_cast %reduce_sum3A_37 : vector<1024xf32> to vector<1x1024xf32>
    %add3A_41 = vector.broadcast %broadcast_in_dim3A : vector<1024x1xf32> to vector<1024x1024xf32>
    %add3A_42 = vector.broadcast %broadcast_in_dim3A_40 : vector<1x1024xf32> to vector<1024x1024xf32>
    %add3A_43 = arith.addf %add3A_41, %add3A_42 : vector<1024x1024xf32>
    %mul3A_44 = arith.constant 2.000000e+00 : f32
    %mul3A_45 = vector.broadcast %mul3A_44 : f32 to vector<1024x1024xf32>
    %mul3A_46 = arith.mulf %mul3A_45, %dot_general3A_39 : vector<1024x1024xf32>
    %sub3A_47 = arith.subf %add3A_43, %mul3A_46 : vector<1024x1024xf32>
    %reduce_min3A_48 = arith.constant dense<0x7F800000> : vector<1024xf32>
    %reduce_min3A_49 = vector.multi_reduction <minimumf>, %sub3A_47, %reduce_min3A_48 [1] : vector<1024x1024xf32> to vector<1024xf32>
    %broadcast_in_dim3A_50 = vector.shape_cast %reduce_min3A_49 : vector<1024xf32> to vector<1024x1xf32>
    %iota3A_51 = tpu.iota {dimensions = array<i32: 1>} : vector<1024x1024xi32>
    %eq3A_52 = vector.broadcast %broadcast_in_dim3A_50 : vector<1024x1xf32> to vector<1024x1024xf32>
    %eq3A_53 = arith.cmpf oeq, %sub3A_47, %eq3A_52 : vector<1024x1024xf32>
    %jit3A_54 = arith.constant 8192 : i32
    %broadcast_in_dim3A_55 = vector.broadcast %jit3A_54 : i32 to vector<1024x1024xi32>
    %select_n3A_56 = arith.select %eq3A_53, %iota3A_51, %broadcast_in_dim3A_55 : vector<1024x1024xi1>, vector<1024x1024xi32>
    %reduce_min3A_57 = arith.constant dense<2147483647> : vector<1024xi32>
    %reduce_min3A_58 = vector.multi_reduction <minsi>, %select_n3A_56, %reduce_min3A_57 [1] : vector<1024x1024xi32> to vector<1024xi32>
    %broadcast_in_dim3A_59 = vector.shape_cast %reduce_min3A_58 : vector<1024xi32> to vector<1024x1xi32>
    %add3A_60 = arith.constant 1024 : i32
    %add3A_61 = vector.broadcast %add3A_60 : i32 to vector<1024x1xi32>
    %add3A_62 = arith.addi %broadcast_in_dim3A_59, %add3A_61 : vector<1024x1xi32>
    %lt3A_63 = arith.cmpf olt, %broadcast_in_dim3A_50, %select_n3A_30 : vector<1024x1xf32>
    %select_n3A_64 = arith.select %lt3A_63, %broadcast_in_dim3A_50, %select_n3A_30 : vector<1024x1xi1>, vector<1024x1xf32>
    %select_n3A_65 = arith.select %lt3A_63, %add3A_62, %select_n3A_31 : vector<1024x1xi1>, vector<1024x1xi32>
    %get3A_66 = arith.constant 2048 : index
    %get3A_67 = arith.constant 0 : index
    %get3A_68 = vector.load %arg2[%get3A_66, %get3A_67] : memref<8192x32xf32, #tpu.memory_space<vmem>>, vector<1024x32xf32>
    %mul3A_69 = arith.mulf %get3A_68, %get3A_68 : vector<1024x32xf32>
    %reduce_sum3A_70 = arith.constant dense<0.000000e+00> : vector<1024xf32>
    %reduce_sum3A_71 = vector.multi_reduction <add>, %mul3A_69, %reduce_sum3A_70 [1] : vector<1024x32xf32> to vector<1024xf32>
    %dot_general3A_72 = arith.constant dense<0.000000e+00> : vector<1024x1024xf32>
    %dot_general3A_73 = tpu.matmul %get3A_1, %get3A_68, %dot_general3A_72 {dimension_numbers = #tpu.dot_dimension_numbers<[1], [1], [0], [0], [0, 0, 1, 0], [], []>, transpose_lhs_hint = false} : vector<1024x32xf32>, vector<1024x32xf32>, vector<1024x1024xf32> -> vector<1024x1024xf32>
    %broadcast_in_dim3A_74 = vector.shape_cast %reduce_sum3A_71 : vector<1024xf32> to vector<1x1024xf32>
    %add3A_75 = vector.broadcast %broadcast_in_dim3A : vector<1024x1xf32> to vector<1024x1024xf32>
    %add3A_76 = vector.broadcast %broadcast_in_dim3A_74 : vector<1x1024xf32> to vector<1024x1024xf32>
    %add3A_77 = arith.addf %add3A_75, %add3A_76 : vector<1024x1024xf32>
    %mul3A_78 = arith.constant 2.000000e+00 : f32
    %mul3A_79 = vector.broadcast %mul3A_78 : f32 to vector<1024x1024xf32>
    %mul3A_80 = arith.mulf %mul3A_79, %dot_general3A_73 : vector<1024x1024xf32>
    %sub3A_81 = arith.subf %add3A_77, %mul3A_80 : vector<1024x1024xf32>
    %reduce_min3A_82 = arith.constant dense<0x7F800000> : vector<1024xf32>
    %reduce_min3A_83 = vector.multi_reduction <minimumf>, %sub3A_81, %reduce_min3A_82 [1] : vector<1024x1024xf32> to vector<1024xf32>
    %broadcast_in_dim3A_84 = vector.shape_cast %reduce_min3A_83 : vector<1024xf32> to vector<1024x1xf32>
    %iota3A_85 = tpu.iota {dimensions = array<i32: 1>} : vector<1024x1024xi32>
    %eq3A_86 = vector.broadcast %broadcast_in_dim3A_84 : vector<1024x1xf32> to vector<1024x1024xf32>
    %eq3A_87 = arith.cmpf oeq, %sub3A_81, %eq3A_86 : vector<1024x1024xf32>
    %jit3A_88 = arith.constant 8192 : i32
    %broadcast_in_dim3A_89 = vector.broadcast %jit3A_88 : i32 to vector<1024x1024xi32>
    %select_n3A_90 = arith.select %eq3A_87, %iota3A_85, %broadcast_in_dim3A_89 : vector<1024x1024xi1>, vector<1024x1024xi32>
    %reduce_min3A_91 = arith.constant dense<2147483647> : vector<1024xi32>
    %reduce_min3A_92 = vector.multi_reduction <minsi>, %select_n3A_90, %reduce_min3A_91 [1] : vector<1024x1024xi32> to vector<1024xi32>
    %broadcast_in_dim3A_93 = vector.shape_cast %reduce_min3A_92 : vector<1024xi32> to vector<1024x1xi32>
    %add3A_94 = arith.constant 2048 : i32
    %add3A_95 = vector.broadcast %add3A_94 : i32 to vector<1024x1xi32>
    %add3A_96 = arith.addi %broadcast_in_dim3A_93, %add3A_95 : vector<1024x1xi32>
    %lt3A_97 = arith.cmpf olt, %broadcast_in_dim3A_84, %select_n3A_64 : vector<1024x1xf32>
    %select_n3A_98 = arith.select %lt3A_97, %broadcast_in_dim3A_84, %select_n3A_64 : vector<1024x1xi1>, vector<1024x1xf32>
    %select_n3A_99 = arith.select %lt3A_97, %add3A_96, %select_n3A_65 : vector<1024x1xi1>, vector<1024x1xi32>
    %get3A_100 = arith.constant 3072 : index
    %get3A_101 = arith.constant 0 : index
    %get3A_102 = vector.load %arg2[%get3A_100, %get3A_101] : memref<8192x32xf32, #tpu.memory_space<vmem>>, vector<1024x32xf32>
    %mul3A_103 = arith.mulf %get3A_102, %get3A_102 : vector<1024x32xf32>
    %reduce_sum3A_104 = arith.constant dense<0.000000e+00> : vector<1024xf32>
    %reduce_sum3A_105 = vector.multi_reduction <add>, %mul3A_103, %reduce_sum3A_104 [1] : vector<1024x32xf32> to vector<1024xf32>
    %dot_general3A_106 = arith.constant dense<0.000000e+00> : vector<1024x1024xf32>
    %dot_general3A_107 = tpu.matmul %get3A_1, %get3A_102, %dot_general3A_106 {dimension_numbers = #tpu.dot_dimension_numbers<[1], [1], [0], [0], [0, 0, 1, 0], [], []>, transpose_lhs_hint = false} : vector<1024x32xf32>, vector<1024x32xf32>, vector<1024x1024xf32> -> vector<1024x1024xf32>
    %broadcast_in_dim3A_108 = vector.shape_cast %reduce_sum3A_105 : vector<1024xf32> to vector<1x1024xf32>
    %add3A_109 = vector.broadcast %broadcast_in_dim3A : vector<1024x1xf32> to vector<1024x1024xf32>
    %add3A_110 = vector.broadcast %broadcast_in_dim3A_108 : vector<1x1024xf32> to vector<1024x1024xf32>
    %add3A_111 = arith.addf %add3A_109, %add3A_110 : vector<1024x1024xf32>
    %mul3A_112 = arith.constant 2.000000e+00 : f32
    %mul3A_113 = vector.broadcast %mul3A_112 : f32 to vector<1024x1024xf32>
    %mul3A_114 = arith.mulf %mul3A_113, %dot_general3A_107 : vector<1024x1024xf32>
    %sub3A_115 = arith.subf %add3A_111, %mul3A_114 : vector<1024x1024xf32>
    %reduce_min3A_116 = arith.constant dense<0x7F800000> : vector<1024xf32>
    %reduce_min3A_117 = vector.multi_reduction <minimumf>, %sub3A_115, %reduce_min3A_116 [1] : vector<1024x1024xf32> to vector<1024xf32>
    %broadcast_in_dim3A_118 = vector.shape_cast %reduce_min3A_117 : vector<1024xf32> to vector<1024x1xf32>
    %iota3A_119 = tpu.iota {dimensions = array<i32: 1>} : vector<1024x1024xi32>
    %eq3A_120 = vector.broadcast %broadcast_in_dim3A_118 : vector<1024x1xf32> to vector<1024x1024xf32>
    %eq3A_121 = arith.cmpf oeq, %sub3A_115, %eq3A_120 : vector<1024x1024xf32>
    %jit3A_122 = arith.constant 8192 : i32
    %broadcast_in_dim3A_123 = vector.broadcast %jit3A_122 : i32 to vector<1024x1024xi32>
    %select_n3A_124 = arith.select %eq3A_121, %iota3A_119, %broadcast_in_dim3A_123 : vector<1024x1024xi1>, vector<1024x1024xi32>
    %reduce_min3A_125 = arith.constant dense<2147483647> : vector<1024xi32>
    %reduce_min3A_126 = vector.multi_reduction <minsi>, %select_n3A_124, %reduce_min3A_125 [1] : vector<1024x1024xi32> to vector<1024xi32>
    %broadcast_in_dim3A_127 = vector.shape_cast %reduce_min3A_126 : vector<1024xi32> to vector<1024x1xi32>
    %add3A_128 = arith.constant 3072 : i32
    %add3A_129 = vector.broadcast %add3A_128 : i32 to vector<1024x1xi32>
    %add3A_130 = arith.addi %broadcast_in_dim3A_127, %add3A_129 : vector<1024x1xi32>
    %lt3A_131 = arith.cmpf olt, %broadcast_in_dim3A_118, %select_n3A_98 : vector<1024x1xf32>
    %select_n3A_132 = arith.select %lt3A_131, %broadcast_in_dim3A_118, %select_n3A_98 : vector<1024x1xi1>, vector<1024x1xf32>
    %select_n3A_133 = arith.select %lt3A_131, %add3A_130, %select_n3A_99 : vector<1024x1xi1>, vector<1024x1xi32>
    %get3A_134 = arith.constant 4096 : index
    %get3A_135 = arith.constant 0 : index
    %get3A_136 = vector.load %arg2[%get3A_134, %get3A_135] : memref<8192x32xf32, #tpu.memory_space<vmem>>, vector<1024x32xf32>
    %mul3A_137 = arith.mulf %get3A_136, %get3A_136 : vector<1024x32xf32>
    %reduce_sum3A_138 = arith.constant dense<0.000000e+00> : vector<1024xf32>
    %reduce_sum3A_139 = vector.multi_reduction <add>, %mul3A_137, %reduce_sum3A_138 [1] : vector<1024x32xf32> to vector<1024xf32>
    %dot_general3A_140 = arith.constant dense<0.000000e+00> : vector<1024x1024xf32>
    %dot_general3A_141 = tpu.matmul %get3A_1, %get3A_136, %dot_general3A_140 {dimension_numbers = #tpu.dot_dimension_numbers<[1], [1], [0], [0], [0, 0, 1, 0], [], []>, transpose_lhs_hint = false} : vector<1024x32xf32>, vector<1024x32xf32>, vector<1024x1024xf32> -> vector<1024x1024xf32>
    %broadcast_in_dim3A_142 = vector.shape_cast %reduce_sum3A_139 : vector<1024xf32> to vector<1x1024xf32>
    %add3A_143 = vector.broadcast %broadcast_in_dim3A : vector<1024x1xf32> to vector<1024x1024xf32>
    %add3A_144 = vector.broadcast %broadcast_in_dim3A_142 : vector<1x1024xf32> to vector<1024x1024xf32>
    %add3A_145 = arith.addf %add3A_143, %add3A_144 : vector<1024x1024xf32>
    %mul3A_146 = arith.constant 2.000000e+00 : f32
    %mul3A_147 = vector.broadcast %mul3A_146 : f32 to vector<1024x1024xf32>
    %mul3A_148 = arith.mulf %mul3A_147, %dot_general3A_141 : vector<1024x1024xf32>
    %sub3A_149 = arith.subf %add3A_145, %mul3A_148 : vector<1024x1024xf32>
    %reduce_min3A_150 = arith.constant dense<0x7F800000> : vector<1024xf32>
    %reduce_min3A_151 = vector.multi_reduction <minimumf>, %sub3A_149, %reduce_min3A_150 [1] : vector<1024x1024xf32> to vector<1024xf32>
    %broadcast_in_dim3A_152 = vector.shape_cast %reduce_min3A_151 : vector<1024xf32> to vector<1024x1xf32>
    %iota3A_153 = tpu.iota {dimensions = array<i32: 1>} : vector<1024x1024xi32>
    %eq3A_154 = vector.broadcast %broadcast_in_dim3A_152 : vector<1024x1xf32> to vector<1024x1024xf32>
    %eq3A_155 = arith.cmpf oeq, %sub3A_149, %eq3A_154 : vector<1024x1024xf32>
    %jit3A_156 = arith.constant 8192 : i32
    %broadcast_in_dim3A_157 = vector.broadcast %jit3A_156 : i32 to vector<1024x1024xi32>
    %select_n3A_158 = arith.select %eq3A_155, %iota3A_153, %broadcast_in_dim3A_157 : vector<1024x1024xi1>, vector<1024x1024xi32>
    %reduce_min3A_159 = arith.constant dense<2147483647> : vector<1024xi32>
    %reduce_min3A_160 = vector.multi_reduction <minsi>, %select_n3A_158, %reduce_min3A_159 [1] : vector<1024x1024xi32> to vector<1024xi32>
    %broadcast_in_dim3A_161 = vector.shape_cast %reduce_min3A_160 : vector<1024xi32> to vector<1024x1xi32>
    %add3A_162 = arith.constant 4096 : i32
    %add3A_163 = vector.broadcast %add3A_162 : i32 to vector<1024x1xi32>
    %add3A_164 = arith.addi %broadcast_in_dim3A_161, %add3A_163 : vector<1024x1xi32>
    %lt3A_165 = arith.cmpf olt, %broadcast_in_dim3A_152, %select_n3A_132 : vector<1024x1xf32>
    %select_n3A_166 = arith.select %lt3A_165, %broadcast_in_dim3A_152, %select_n3A_132 : vector<1024x1xi1>, vector<1024x1xf32>
    %select_n3A_167 = arith.select %lt3A_165, %add3A_164, %select_n3A_133 : vector<1024x1xi1>, vector<1024x1xi32>
    %get3A_168 = arith.constant 5120 : index
    %get3A_169 = arith.constant 0 : index
    %get3A_170 = vector.load %arg2[%get3A_168, %get3A_169] : memref<8192x32xf32, #tpu.memory_space<vmem>>, vector<1024x32xf32>
    %mul3A_171 = arith.mulf %get3A_170, %get3A_170 : vector<1024x32xf32>
    %reduce_sum3A_172 = arith.constant dense<0.000000e+00> : vector<1024xf32>
    %reduce_sum3A_173 = vector.multi_reduction <add>, %mul3A_171, %reduce_sum3A_172 [1] : vector<1024x32xf32> to vector<1024xf32>
    %dot_general3A_174 = arith.constant dense<0.000000e+00> : vector<1024x1024xf32>
    %dot_general3A_175 = tpu.matmul %get3A_1, %get3A_170, %dot_general3A_174 {dimension_numbers = #tpu.dot_dimension_numbers<[1], [1], [0], [0], [0, 0, 1, 0], [], []>, transpose_lhs_hint = false} : vector<1024x32xf32>, vector<1024x32xf32>, vector<1024x1024xf32> -> vector<1024x1024xf32>
    %broadcast_in_dim3A_176 = vector.shape_cast %reduce_sum3A_173 : vector<1024xf32> to vector<1x1024xf32>
    %add3A_177 = vector.broadcast %broadcast_in_dim3A : vector<1024x1xf32> to vector<1024x1024xf32>
    %add3A_178 = vector.broadcast %broadcast_in_dim3A_176 : vector<1x1024xf32> to vector<1024x1024xf32>
    %add3A_179 = arith.addf %add3A_177, %add3A_178 : vector<1024x1024xf32>
    %mul3A_180 = arith.constant 2.000000e+00 : f32
    %mul3A_181 = vector.broadcast %mul3A_180 : f32 to vector<1024x1024xf32>
    %mul3A_182 = arith.mulf %mul3A_181, %dot_general3A_175 : vector<1024x1024xf32>
    %sub3A_183 = arith.subf %add3A_179, %mul3A_182 : vector<1024x1024xf32>
    %reduce_min3A_184 = arith.constant dense<0x7F800000> : vector<1024xf32>
    %reduce_min3A_185 = vector.multi_reduction <minimumf>, %sub3A_183, %reduce_min3A_184 [1] : vector<1024x1024xf32> to vector<1024xf32>
    %broadcast_in_dim3A_186 = vector.shape_cast %reduce_min3A_185 : vector<1024xf32> to vector<1024x1xf32>
    %iota3A_187 = tpu.iota {dimensions = array<i32: 1>} : vector<1024x1024xi32>
    %eq3A_188 = vector.broadcast %broadcast_in_dim3A_186 : vector<1024x1xf32> to vector<1024x1024xf32>
    %eq3A_189 = arith.cmpf oeq, %sub3A_183, %eq3A_188 : vector<1024x1024xf32>
    %jit3A_190 = arith.constant 8192 : i32
    %broadcast_in_dim3A_191 = vector.broadcast %jit3A_190 : i32 to vector<1024x1024xi32>
    %select_n3A_192 = arith.select %eq3A_189, %iota3A_187, %broadcast_in_dim3A_191 : vector<1024x1024xi1>, vector<1024x1024xi32>
    %reduce_min3A_193 = arith.constant dense<2147483647> : vector<1024xi32>
    %reduce_min3A_194 = vector.multi_reduction <minsi>, %select_n3A_192, %reduce_min3A_193 [1] : vector<1024x1024xi32> to vector<1024xi32>
    %broadcast_in_dim3A_195 = vector.shape_cast %reduce_min3A_194 : vector<1024xi32> to vector<1024x1xi32>
    %add3A_196 = arith.constant 5120 : i32
    %add3A_197 = vector.broadcast %add3A_196 : i32 to vector<1024x1xi32>
    %add3A_198 = arith.addi %broadcast_in_dim3A_195, %add3A_197 : vector<1024x1xi32>
    %lt3A_199 = arith.cmpf olt, %broadcast_in_dim3A_186, %select_n3A_166 : vector<1024x1xf32>
    %select_n3A_200 = arith.select %lt3A_199, %broadcast_in_dim3A_186, %select_n3A_166 : vector<1024x1xi1>, vector<1024x1xf32>
    %select_n3A_201 = arith.select %lt3A_199, %add3A_198, %select_n3A_167 : vector<1024x1xi1>, vector<1024x1xi32>
    %get3A_202 = arith.constant 6144 : index
    %get3A_203 = arith.constant 0 : index
    %get3A_204 = vector.load %arg2[%get3A_202, %get3A_203] : memref<8192x32xf32, #tpu.memory_space<vmem>>, vector<1024x32xf32>
    %mul3A_205 = arith.mulf %get3A_204, %get3A_204 : vector<1024x32xf32>
    %reduce_sum3A_206 = arith.constant dense<0.000000e+00> : vector<1024xf32>
    %reduce_sum3A_207 = vector.multi_reduction <add>, %mul3A_205, %reduce_sum3A_206 [1] : vector<1024x32xf32> to vector<1024xf32>
    %dot_general3A_208 = arith.constant dense<0.000000e+00> : vector<1024x1024xf32>
    %dot_general3A_209 = tpu.matmul %get3A_1, %get3A_204, %dot_general3A_208 {dimension_numbers = #tpu.dot_dimension_numbers<[1], [1], [0], [0], [0, 0, 1, 0], [], []>, transpose_lhs_hint = false} : vector<1024x32xf32>, vector<1024x32xf32>, vector<1024x1024xf32> -> vector<1024x1024xf32>
    %broadcast_in_dim3A_210 = vector.shape_cast %reduce_sum3A_207 : vector<1024xf32> to vector<1x1024xf32>
    %add3A_211 = vector.broadcast %broadcast_in_dim3A : vector<1024x1xf32> to vector<1024x1024xf32>
    %add3A_212 = vector.broadcast %broadcast_in_dim3A_210 : vector<1x1024xf32> to vector<1024x1024xf32>
    %add3A_213 = arith.addf %add3A_211, %add3A_212 : vector<1024x1024xf32>
    %mul3A_214 = arith.constant 2.000000e+00 : f32
    %mul3A_215 = vector.broadcast %mul3A_214 : f32 to vector<1024x1024xf32>
    %mul3A_216 = arith.mulf %mul3A_215, %dot_general3A_209 : vector<1024x1024xf32>
    %sub3A_217 = arith.subf %add3A_213, %mul3A_216 : vector<1024x1024xf32>
    %reduce_min3A_218 = arith.constant dense<0x7F800000> : vector<1024xf32>
    %reduce_min3A_219 = vector.multi_reduction <minimumf>, %sub3A_217, %reduce_min3A_218 [1] : vector<1024x1024xf32> to vector<1024xf32>
    %broadcast_in_dim3A_220 = vector.shape_cast %reduce_min3A_219 : vector<1024xf32> to vector<1024x1xf32>
    %iota3A_221 = tpu.iota {dimensions = array<i32: 1>} : vector<1024x1024xi32>
    %eq3A_222 = vector.broadcast %broadcast_in_dim3A_220 : vector<1024x1xf32> to vector<1024x1024xf32>
    %eq3A_223 = arith.cmpf oeq, %sub3A_217, %eq3A_222 : vector<1024x1024xf32>
    %jit3A_224 = arith.constant 8192 : i32
    %broadcast_in_dim3A_225 = vector.broadcast %jit3A_224 : i32 to vector<1024x1024xi32>
    %select_n3A_226 = arith.select %eq3A_223, %iota3A_221, %broadcast_in_dim3A_225 : vector<1024x1024xi1>, vector<1024x1024xi32>
    %reduce_min3A_227 = arith.constant dense<2147483647> : vector<1024xi32>
    %reduce_min3A_228 = vector.multi_reduction <minsi>, %select_n3A_226, %reduce_min3A_227 [1] : vector<1024x1024xi32> to vector<1024xi32>
    %broadcast_in_dim3A_229 = vector.shape_cast %reduce_min3A_228 : vector<1024xi32> to vector<1024x1xi32>
    %add3A_230 = arith.constant 6144 : i32
    %add3A_231 = vector.broadcast %add3A_230 : i32 to vector<1024x1xi32>
    %add3A_232 = arith.addi %broadcast_in_dim3A_229, %add3A_231 : vector<1024x1xi32>
    %lt3A_233 = arith.cmpf olt, %broadcast_in_dim3A_220, %select_n3A_200 : vector<1024x1xf32>
    %select_n3A_234 = arith.select %lt3A_233, %broadcast_in_dim3A_220, %select_n3A_200 : vector<1024x1xi1>, vector<1024x1xf32>
    %select_n3A_235 = arith.select %lt3A_233, %add3A_232, %select_n3A_201 : vector<1024x1xi1>, vector<1024x1xi32>
    %get3A_236 = arith.constant 7168 : index
    %get3A_237 = arith.constant 0 : index
    %get3A_238 = vector.load %arg2[%get3A_236, %get3A_237] : memref<8192x32xf32, #tpu.memory_space<vmem>>, vector<1024x32xf32>
    %mul3A_239 = arith.mulf %get3A_238, %get3A_238 : vector<1024x32xf32>
    %reduce_sum3A_240 = arith.constant dense<0.000000e+00> : vector<1024xf32>
    %reduce_sum3A_241 = vector.multi_reduction <add>, %mul3A_239, %reduce_sum3A_240 [1] : vector<1024x32xf32> to vector<1024xf32>
    %dot_general3A_242 = arith.constant dense<0.000000e+00> : vector<1024x1024xf32>
    %dot_general3A_243 = tpu.matmul %get3A_1, %get3A_238, %dot_general3A_242 {dimension_numbers = #tpu.dot_dimension_numbers<[1], [1], [0], [0], [0, 0, 1, 0], [], []>, transpose_lhs_hint = false} : vector<1024x32xf32>, vector<1024x32xf32>, vector<1024x1024xf32> -> vector<1024x1024xf32>
    %broadcast_in_dim3A_244 = vector.shape_cast %reduce_sum3A_241 : vector<1024xf32> to vector<1x1024xf32>
    %add3A_245 = vector.broadcast %broadcast_in_dim3A : vector<1024x1xf32> to vector<1024x1024xf32>
    %add3A_246 = vector.broadcast %broadcast_in_dim3A_244 : vector<1x1024xf32> to vector<1024x1024xf32>
    %add3A_247 = arith.addf %add3A_245, %add3A_246 : vector<1024x1024xf32>
    %mul3A_248 = arith.constant 2.000000e+00 : f32
    %mul3A_249 = vector.broadcast %mul3A_248 : f32 to vector<1024x1024xf32>
    %mul3A_250 = arith.mulf %mul3A_249, %dot_general3A_243 : vector<1024x1024xf32>
    %sub3A_251 = arith.subf %add3A_247, %mul3A_250 : vector<1024x1024xf32>
    %reduce_min3A_252 = arith.constant dense<0x7F800000> : vector<1024xf32>
    %reduce_min3A_253 = vector.multi_reduction <minimumf>, %sub3A_251, %reduce_min3A_252 [1] : vector<1024x1024xf32> to vector<1024xf32>
    %broadcast_in_dim3A_254 = vector.shape_cast %reduce_min3A_253 : vector<1024xf32> to vector<1024x1xf32>
    %iota3A_255 = tpu.iota {dimensions = array<i32: 1>} : vector<1024x1024xi32>
    %eq3A_256 = vector.broadcast %broadcast_in_dim3A_254 : vector<1024x1xf32> to vector<1024x1024xf32>
    %eq3A_257 = arith.cmpf oeq, %sub3A_251, %eq3A_256 : vector<1024x1024xf32>
    %jit3A_258 = arith.constant 8192 : i32
    %broadcast_in_dim3A_259 = vector.broadcast %jit3A_258 : i32 to vector<1024x1024xi32>
    %select_n3A_260 = arith.select %eq3A_257, %iota3A_255, %broadcast_in_dim3A_259 : vector<1024x1024xi1>, vector<1024x1024xi32>
    %reduce_min3A_261 = arith.constant dense<2147483647> : vector<1024xi32>
    %reduce_min3A_262 = vector.multi_reduction <minsi>, %select_n3A_260, %reduce_min3A_261 [1] : vector<1024x1024xi32> to vector<1024xi32>
    %broadcast_in_dim3A_263 = vector.shape_cast %reduce_min3A_262 : vector<1024xi32> to vector<1024x1xi32>
    %add3A_264 = arith.constant 7168 : i32
    %add3A_265 = vector.broadcast %add3A_264 : i32 to vector<1024x1xi32>
    %add3A_266 = arith.addi %broadcast_in_dim3A_263, %add3A_265 : vector<1024x1xi32>
    %lt3A_267 = arith.cmpf olt, %broadcast_in_dim3A_254, %select_n3A_234 : vector<1024x1xf32>
    %select_n3A_268 = arith.select %lt3A_267, %broadcast_in_dim3A_254, %select_n3A_234 : vector<1024x1xi1>, vector<1024x1xf32>
    %select_n3A_269 = arith.select %lt3A_267, %add3A_266, %select_n3A_235 : vector<1024x1xi1>, vector<1024x1xi32>
    %squeeze3A = vector.shape_cast %select_n3A_269 : vector<1024x1xi32> to vector<1024xi32>
    %swap3A = arith.constant 0 : index
    %swap3A_270 = vector.load %arg3[%swap3A] : memref<1024xi32, #tpu.memory_space<vmem>>, vector<1024xi32>
    tpu.vector_store %arg3[%swap3A], %squeeze3A {strides = array<i32>} : memref<1024xi32, #tpu.memory_space<vmem>>, vector<1024xi32>,
    %squeeze3A_271 = vector.shape_cast %select_n3A_268 : vector<1024x1xf32> to vector<1024xf32>
    %swap3A_272 = arith.constant 0 : index
    %swap3A_273 = vector.load %arg4[%swap3A_272] : memref<1024xf32, #tpu.memory_space<vmem>>, vector<1024xf32>
    tpu.vector_store %arg4[%swap3A_272], %squeeze3A_271 {strides = array<i32>} : memref<1024xf32, #tpu.memory_space<vmem>>, vector<1024xf32>,
    return
  }
  func.func @transform_0(%arg0: i32) -> (i32, i32) {
    %c0_i32 = arith.constant 0 : i32
    %c0_i32_0 = arith.constant 0 : i32
    return %arg0, %c0_i32 : i32, i32
  }
  func.func @transform_1(%arg0: i32) -> (i32, i32) {
    %c0_i32 = arith.constant 0 : i32
    %c0_i32_0 = arith.constant 0 : i32
    %c0_i32_1 = arith.constant 0 : i32
    return %c0_i32, %c0_i32_0 : i32, i32
  }
  func.func @transform_2(%arg0: i32) -> i32 {
    %c0_i32 = arith.constant 0 : i32
    return %arg0 : i32
  }
  func.func @transform_3(%arg0: i32) -> i32 {
    %c0_i32 = arith.constant 0 : i32
    return %arg0 : i32
  }
}

module attributes {stable_mosaic.version = 14 : i64} {
  func.func @_sum_body(%arg0: memref<128x128xf32, #tpu.memory_space<vmem>>, %arg1: memref<1x1xf32, #tpu.memory_space<smem>>) attributes {dimension_semantics = [], scalar_prefetch = 0 : i64, scratch_operands = 0 : i64, tpu.core_type = #tpu.core_type<tc>} {
    %get3A = arith.constant 0 : index
    %get3A_0 = arith.constant 0 : index
    %get3A_1 = vector.load %arg0[%get3A, %get3A_0] : memref<128x128xf32, #tpu.memory_space<vmem>>, vector<128x128xf32>
    %reduce_sum3A = vector.shape_cast %get3A_1 : vector<128x128xf32> to vector<1x128x128xf32>
    %reduce_sum3A_2 = arith.constant dense<0.000000e+00> : vector<1xf32>
    %reduce_sum3A_3 = vector.multi_reduction <add>, %reduce_sum3A, %reduce_sum3A_2 [1, 2] : vector<1x128x128xf32> to vector<1xf32>
    %reduce_sum3A_4 = vector.shape_cast %reduce_sum3A_3 : vector<1xf32> to vector<1x1x1xf32>
    %reduce_sum3A_5 = vector.extract %reduce_sum3A_4[0, 0, 0] : f32 from vector<1x1x1xf32>
    %swap3A = arith.constant 0 : index
    %swap3A_6 = arith.constant 0 : index
    %swap3A_7 = memref.load %arg1[%swap3A, %swap3A_6] : memref<1x1xf32, #tpu.memory_space<smem>>
    memref.store %reduce_sum3A_5, %arg1[%swap3A, %swap3A_6] : memref<1x1xf32, #tpu.memory_space<smem>>
    return
  }
}

</mosaic_0001>

<sc_bundles>
// kernel: kernel.5.cloned.1.call-start
scs
__scs_entry_jumppad:
0x0: {  	(pc) =	sbr.rel $0x88, $3  }
0x1: {  	(tag) =	ssettag $0x0;
	lr =	simm.s32 $0x1  }
0x2: {  	[smem:$0x3F9F] =	sst lr;
	_ =	strace $0xD0000000  }
0x3: {  	_ = 	snop  }
0x4: {  	_ = 	snop  }
0x5: {  	_ = 	snop  }
0x6: {  	_ = 	snop  }
0x7: {  	_ = 	snop  }
__scs_overlays_trampoline_lowered:
0x8: {  	[smem:$0x3FAE] =	sst s0  }
0x9: {  	[smem:$0x3FAF] =	sst s1  }
0xa: {  	[smem:$0x3FB0] =	sst s2  }
0xb: {  	[smem:$0x3FB1] =	sst s3  }
0xc: {  	[smem:$0x3FB2] =	sst s4  }
0xd: {  	[smem:$0x3FB3] =	sst s5  }
0xe: {  	[smem:$0x3FB4] =	sst s6  }
0xf: {  	[smem:$0x3FB5] =	sst s7  }
0x10: {  	[smem:$0x3FB6] =	sst s8  }
0x11: {  	[smem:$0x3FB7] =	sst s9;
	s0 =	simm.s32 @!p0 $0x0  }
0x12: {  	s1 =	sld [smem:$0x3F9D];
	s0 =	simm.s32 @p0 $0x1  }
0x13: {  	[smem:$0x3FB8] =	sst s0;
	s0 =	simm.s32 @!p1 $0x0  }
0x14: {  	s2 =	sld [smem:$0x3F9C];
	s0 =	simm.s32 @p1 $0x1  }
0x15: {  	[smem:$0x3FB9] =	sst s0;
	s0 =	simm.s32 @!p2 $0x0  }
0x16: {  	s3 =	sld [smem:$0x3FDB];
	s0 =	simm.s32 @p2 $0x1  }
0x17: {  	s4 =	simm.s32 $0x1BF5;
	[smem:$0x3FBB] =	sst s0  }
0x18: {  	s0 =	sld [smem:$0x3F9E];
	_ =	swait.ge [sflag:s4], $0x0  }
0x19: {  	s7 =	sld [smem:$0x3F9F]  }
0x1a: {  	s8 =	sadd.s32 $0xFFFFE003, lr  }
0x1b: {  	s9 =	sadd.s32 $0xFFFFFEF7, lr;
	s5 =	simm.s32 $0xFFFFFFFF;
	p2 =	slt.u32 s8, $0xFFFFF086  }
0x1c: {  	p1 =	slt.u32 s9, $0xF7A;
	s5 =	simm.s32 @!p2 $0x0  }
0x1d: {  	s5 =	simm.s32 @p1 $0x1;
	p0 =	seq.s32 s7, s2  }
0x1e: {  	s7 =	smul.u32 @!p0 $0xF7A, s2;
	p2 =	seq.s32 @!p0 s5, $0x0  }
0x1f: {  	s9 =	smul.u32 $0xF7A, s1;
	s8 =	simm.s32 @!p0 $0x1BF5;
	p2 =	por !p2, p0  }
0x20: {  	[sflag:s8] =	ssyncset.s32 @!p0 $0xFFFFF086;
	s6 =	sadd.s32 @!p0 s3, s7;
	s7 =	simm.s32 @!p0 $0x108  }
0x21: {  	s3 =	sadd.s32 s3, s9;
	s6 =	sadd.s32 @!p0 $0x88, s6;
	s7 =	simm.s32 @p2 $0x1082  }
0x22: {  	[simem:s7], [sflag:s8] =	dma.local @!p0 [hbm:s6], $0xF7A  }
0x23: {  	s9 =	sor.u32 $0xD0000000, s2;
	s6 =	simm.s32 $0x108;
	_ =	swait.ge @!p0 [sflag:s8], $0x0  }
0x24: {  	s3 =	sadd.s32 $0x88, s3;
	s6 =	simm.s32 @!p1 $0x1082;
	[sflag:s4] =	ssyncset.s32 $0xFFFFF086  }
0x25: {  	[simem:s6], [sflag:s4] =	dma.local [hbm:s3], $0xF7A  }
0x26: {  	[smem:$0x3F9F] =	sst s1;
	(tag) =	ssettag s2;
	_ =	strace s9  }
0x27: {  	s1 =	sld [smem:$0x3FAF]  }
0x28: {  	s2 =	sld [smem:$0x3FB0]  }
0x29: {  	s4 =	sld [smem:$0x3FB2]  }
0x2a: {  	p0 =	seq.s32 s5, $0x0;
	s5 =	sld [smem:$0x3FB3]  }
0x2b: {  	s6 =	sld [smem:$0x3FB4]  }
0x2c: {  	s7 =	sld [smem:$0x3FB5]  }
0x2d: {  	s3 =	simm.s32 $0x108;
	s8 =	sld [smem:$0x3FB6]  }
0x2e: {  	s3 =	simm.s32 @!p0 $0x1082;
	s9 =	sld [smem:$0x3FB7]  }
0x2f: {  	lr =	sadd.s32 s0, s3;
	s0 =	sld [smem:$0x3FAE]  }
0x30: {  	s3 =	sld [smem:$0x3FB1]  }
0x31: {  	[smem:$0x3FBA] =	sst s10  }
0x32: {  	s10 =	sld [smem:$0x3FB8];
	_ =	sdelay $0x3  }
0x33: {  	p0 =	seq.s32 s10, $0x1;
	s10 =	sld [smem:$0x3FBA];
	_ =	sdelay $0x3  }
0x34: {  	[smem:$0x3FBA] =	sst s10  }
0x35: {  	s10 =	sld [smem:$0x3FB9];
	_ =	sdelay $0x3  }
0x36: {  	p1 =	seq.s32 s10, $0x1;
	s10 =	sld [smem:$0x3FBA];
	_ =	sdelay $0x3  }
0x37: {  	[smem:$0x3FBA] =	sst s10  }
0x38: {  	s10 =	sld [smem:$0x3FBB]  }
0x39: {  	_ = 	snop;
	(pc) =	sbr.ind lr, $3  }
0x3a: {  	_ = 	snop  }
0x3b: {  	_ = 	snop  }
0x3c: {  	p2 =	seq.s32 s10, $0x1;
	s10 =	sld [smem:$0x3FBA]  }
0x3d: {  	_ =	shalt  }
0x3e: {  	_ =	shalt  }
0x3f: {  	_ =	shalt  }
0x40: {  	_ =	shalt  }
0x41: {  	_ =	shalt  }
0x42: {  	_ =	shalt  }
0x43: {  	_ =	shalt  }
0x44: {  	_ =	shalt  }
0x45: {  	_ =	shalt  }
0x46: {  	_ =	shalt  }
0x47: {  	_ =	shalt  }
0x48: {  	_ =	shalt  }
0x49: {  	_ =	shalt  }
0x4a: {  	_ =	shalt  }
0x4b: {  	_ =	shalt  }
0x4c: {  	_ =	shalt  }
0x4d: {  	_ =	shalt  }
0x4e: {  	_ =	shalt  }
0x4f: {  	_ =	shalt  }
0x50: {  	_ =	shalt  }
0x51: {  	_ =	shalt  }
0x52: {  	_ =	shalt  }
0x53: {  	_ =	shalt  }
0x54: {  	_ =	shalt  }
0x55: {  	_ =	shalt  }
0x56: {  	_ =	shalt  }
0x57: {  	_ =	shalt  }
0x58: {  	_ =	shalt  }
0x59: {  	_ =	shalt  }
0x5a: {  	_ =	shalt  }
0x5b: {  	_ =	shalt  }
0x5c: {  	_ =	shalt  }
0x5d: {  	_ =	shalt  }
0x5e: {  	_ =	shalt  }
0x5f: {  	_ =	shalt  }
0x60: {  	_ =	shalt  }
0x61: {  	_ =	shalt  }
0x62: {  	_ =	shalt  }
0x63: {  	_ =	shalt  }
0x64: {  	_ =	shalt  }
0x65: {  	_ =	shalt  }
0x66: {  	_ =	shalt  }
0x67: {  	_ =	shalt  }
0x68: {  	_ =	shalt  }
0x69: {  	_ =	shalt  }
0x6a: {  	_ =	shalt  }
0x6b: {  	_ =	shalt  }
0x6c: {  	_ =	shalt  }
0x6d: {  	_ =	shalt  }
0x6e: {  	_ =	shalt  }
0x6f: {  	_ =	shalt  }
0x70: {  	_ =	shalt  }
0x71: {  	_ =	shalt  }
0x72: {  	_ =	shalt  }
0x73: {  	_ =	shalt  }
0x74: {  	_ =	shalt  }
0x75: {  	_ =	shalt  }
0x76: {  	_ =	shalt  }
0x77: {  	_ =	shalt  }
0x78: {  	_ =	shalt  }
0x79: {  	_ =	shalt  }
0x7a: {  	_ =	shalt  }
0x7b: {  	_ =	shalt  }
0x7c: {  	_ =	shalt  }
0x7d: {  	_ =	shalt  }
0x7e: {  	_ =	shalt  }
0x7f: {  	_ =	shalt  }
0x80: {  	_ =	shalt  }
0x81: {  	_ =	shalt  }
0x82: {  	_ =	shalt  }
0x83: {  	_ =	shalt  }
0x84: {  	_ =	shalt  }
0x85: {  	_ =	shalt  }
0x86: {  	_ =	shalt  }
0x87: {  	_ =	shalt  }
.Lfunc_end0:
.L_simem_size_0:
called_computation_lowered:
.L_overlay_start_0:
0x88: {  	s2 =	sld [smem:$0x3FD9]  }
0x89: {  	s3 =	sld [smem:$0x3FFE];
	_ =	sdelay $0x1  }
0x8a: {  	s1 =	srdreg.scid  }
0x8b: {  	s0 =	sand.u32 $0x1, s1  }
0x8c: {  	s14 =	sshll.u32 s0, $0xA;
	s2 =	sadd.s32 s3, s2  }
0x8d: {  	s2 =	sadd.s32 s2, s14  }
0x8e: {  	[smem:$0x3FC6] =	sst s2  }
0x8f: {  	_ = 	snop  }
0x90: {  	s2 =	sld [smem:$0x3FD0];
	_ =	sdelay $0x2  }
0x91: {  	s15 =	simm.s32 $0xA;
	s4 =	simm.s32 $0x10  }
0x92: {  	[smem:s4], [sflag:s15] =	dma.local [hbm:s2], $0x1  }
0x93: {  	_ =	swait.eq [sflag:s15], $0x1  }
0x94: {  	[sflag:s15] =	ssyncset.done $0x0  }
0x95: {  	[sflag:s15] =	ssyncadd.s32 $0xFFFFFFFF  }
0x96: {  	s16 =	sld [smem:$0x10];
	(tm) =	ssettm $0x1  }
0x97: {  	s17 =	sld [smem:$0x3FFB];
	_ =	sdelay $0x3  }
0x98: {  	_ =	strace s17  }
0x99: {  	s3 =	sld [smem:$0x3FFC];
	_ =	sdelay $0x3  }
0x9a: {  	_ =	strace s3  }
0x9b: {  	s3 =	sld [smem:$0x3FFD];
	_ =	sdelay $0x3  }
0x9c: {  	_ =	strace s3  }
0x9d: {  	_ =	strace $0x8FFFFFFF  }
0x9e: {  	s18 =	sld [smem:$0x3FDB];
	_ =	sdelay $0x1  }
0x9f: {  	s19 =	simm.s32 $_scs_section_size  }
0xa0: {  	s5 =	simm.s32 $_size__tile_overlayer_lowered;
	s6 =	simm.s32 $_tile_overlayer_lowered  }
0xa1: {  	s22 =	simm.s32 $0x1BFF;
	s21 =	sshll.u32 s6, $0x1;
	s3 =	sadd.s32 s19, s18  }
0xa2: {  	s7 =	simm.s32 $0x0;
	s20 =	sshll.u32 s5, $0x1;
	s5 =	sadd.s32 s21, s3  }
0xa3: {  	[timem:s7], [sflag:s22] =	dma.local [hbm:s5], s20  }
0xa4: {  	_ =	swait.ge [sflag:s22], s20  }
0xa5: {  	s4 =	ssub.s32 $0x0, s20;
	[sflag:s22] =	ssyncset.done $0x0  }
0xa6: {  	[sflag:s22] =	ssyncadd.s32 s4;
	_ =	sdelay $0x1  }
0xa7: {  	s23 =	simm.s32 $0x1B8B  }
0xa8: {  	_ =	swait.ge [sflag:s23], $0x1  }
0xa9: {  	[sflag:s23] =	ssyncset.done $0x0  }
0xaa: {  	s25 =	simm.s32 $0x1B8E;
	s24 =	sld [smem:$0x3FFE];
	[sflag:s23] =	ssyncadd.s32 $0xFFFFFFFF  }
0xab: {  	s26 =	simm.s32 $execute0_lowered;
	[smem:$0x3FD2] =	sst s25  }
0xac: {  	s5 =	sshll.u32 s26, $0x1;
	_ =	strace $0x80000046;
	[dreg:$0x1] =	wrdreg $0xFFFFFFFF  }
0xad: {  	s28 =	simm.s32 $_size_execute0_lowered;
	s3 =	sadd.s32 s3, s5;
	[dreg:$0x0] =	wrdreg $0x0  }
0xae: {  	s5 =	sshll.u32 s28, $0x1;
	[dreg:$0x2] =	wrdreg s3  }
0xaf: {  	[dreg:$0x3] =	wrdreg s5  }
0xb0: {  	[dreg:$0x4] =	wrdreg $0xC0  }
0xb1: {  	_ =	task [dreg:s7], $0x5FFFF  }
0xb2: {  	[dreg:$0x1] =	wrdreg $0xFFFFFFFF  }
0xb3: {  	[dreg:$0x0] =	wrdreg $0x60  }
0xb4: {  	[dreg:$0x2] =	wrdreg s24  }
0xb5: {  	[dreg:$0x3] =	wrdreg s16  }
0xb6: {  	[dreg:$0x4] =	wrdreg $0x9  }
0xb7: {  	_ =	task.clear_ibuf [dreg:s7], $0x5FFFF;
	_ =	strace $0x90000046  }
0xb8: {  	s29 =	simm.s32 $0x9;
	_ =	strace $0x80000048  }
0xb9: {  	_ =	swait.ge [sflag:s29], $0x1  }
0xba: {  	[sflag:s29] =	ssyncadd.s32 $0xFFFFFFFF  }
0xbb: {  	_ =	strace $0x90000048  }
0xbc: {  	_ =	sfence  }
0xbd: {  	s30 =	sld [smem:$0x0];
	_ =	sdelay $0x2  }
0xbe: {  	s31 =	sshll.u32 s1, $0xD;
	s1 =	sshrl.u32 s1, $0x2  }
0xbf: {  	s3 =	sand.u32 $0x4000, s31;
	s1 =	sadd.s32 s1, s30  }
0xc0: {  	s0 =	sor.u32 s3, s0;
	s1 =	sshll.u32 s1, $0x11  }
0xc1: {  	s0 =	sor.u32 s1, s0  }
0xc2: {  	s0 =	sadd.s32 $0x8F2B, s0  }
0xc3: {  	[sflag:s0] =	ssyncadd.remote.s32 $0x1  }
0xc4: {  	_ =	sfence.sel $0xFFFF  }
0xc5: {  	[dreg:$0x0] =	wrdreg $0xFFFFFFFF;
	(pc) =	sbr.abs _section_cstart, $3  }
0xc6: {  	[dreg:$0x1] =	wrdreg $0xFFFFFFFF  }
0xc7: {  	_ =	task.clear_ibuf [dreg:s7], $0x2FFFF;
	_ =	strace $0x9FFFFFFF  }
0xc8: {  	(tm) =	ssettm $0x7FFFFFFF  }
0xc9: {  	_ =	shalt  }
tec
execute0_lowered:
.L_overlay_start_1:
0x0: {  	(tag) =	ssettag $0x1  }
0x1: {  	s1 =	srdreg.scid  }
0x2: {  	s0 =	stileid.u32;
	s6 =	sand.u32 $0x1, s1  }
0x3: {  	s5 =	rddreg [dreg:$0x0];
	s30 =	sshll.u32 s0, $0xA;
	s2 =	sshll.u32 s6, $0x9  }
0x4: {  	s8 =	rddreg [dreg:$0x1];
	s9 =	sor.u32 s2, s30  }
0x5: {  	s1 =	rddreg [dreg:$0x2];
	s2 =	simm.s32 $0x0;
	s3 =	sshrl.u32 s9, $0x3  }
0x6: {  	s10 =	ssub.s32 $0x2, s6;
	[smem:$0x7FF] =	sst s2;
	s3 =	sadd.s32 s3, s5  }
0x7: {  	_ =	strace $0x80000047;
	s4 =	sadd.s32 $0x8C00, s3;
	s3 =	simm.s32 $0x2  }
0x8: {  	[tilespmem:s2], [sflag:$0x2] =	stream.linear.gather [hbm4b:s4+s2], $0x200, $0x38;
	[tilespmem:$0x4200] =	vst v63  }
0x9: {  	s7 =	simm.s32 $0x1;
	s11 =	sshrl.u32 s10, $0x1;
	_ =	swait.ge [sflag:s3], $0x200  }
0xa: {  	s6 =	simm.s32 $0x200;
	s10 =	ssub.s32 s10, s11;
	[sflag:s3] =	ssyncset.done $0x0  }
0xb: {  	s5 =	sadd.s32 $0xC00, s5;
	s31 =	smax.u32 s10, $0x1;
	[sflag:s3] =	ssyncadd.s32 $0xFFFFFE00  }
0xc: {  	[tilespmem:s6], [sflag:$0x1] =	stream.indirect.gather [hbm4b:s5+s6], $0x20, s2, s6, $0xb8;
	[tilespmem:$0x4200] =	vst v63  }
0xd: {  	p0 =	sne.s32 s31, $0x1;
	_ =	swait.ge [sflag:s7], $0x4000  }
.Ltmp0:
0xe: {  	s9 =	sshll.u32 s9, $0x2;
	[sflag:s7] =	ssyncset.done $0x0;
	(pc) =	sbr.rel @!p0 .LBB2_2-.Ltmp0, $4  }
0xf: {  	s8 =	sadd.s32 s8, s9;
	[sflag:s7] =	ssyncadd.s32 $0xFFFFC000  }
0x10: {  	[hbm4b:s8+s2] =	stream.linear.scatter [tilespmem:s6], [sflag:$0x2], $0x4000, $0x38;
	[tilespmem:$0x4200] =	vst v63  }
0x11: {  	_ =	swait.ge [sflag:s3], $0x4000  }
0x12: {  	s9 =	sadd.s32 $0xFFFFFFFF, s31;
	[sflag:s3] =	ssyncset.done $0x0  }
.LBB2_1:
0x13: {  	p0 =	sne.s32 s9, $0x1;
	s9 =	sadd.s32 $0xFFFFFFFF, s9;
	[sflag:s3] =	ssyncadd.s32 $0xFFFFC000  }
0x14: {  	[tilespmem:s2], [sflag:$0x2] =	stream.linear.gather [hbm4b:s4+s2], $0x200, $0x38;
	[tilespmem:$0x4200] =	vst v63  }
0x15: {  	_ =	swait.ge [sflag:s3], $0x200  }
0x16: {  	[sflag:s3] =	ssyncset.done $0x0  }
0x17: {  	[sflag:s3] =	ssyncadd.s32 $0xFFFFFE00  }
0x18: {  	[tilespmem:s6], [sflag:$0x1] =	stream.indirect.gather [hbm4b:s5+s6], $0x20, s2, s6, $0xb8;
	[tilespmem:$0x4200] =	vst v63  }
0x19: {  	_ =	swait.ge [sflag:s7], $0x4000  }
.Ltmp1:
0x1a: {  	[sflag:s7] =	ssyncset.done $0x0;
	(pc) =	sbr.rel @p0 .LBB2_1-.Ltmp1, $4  }
0x1b: {  	[sflag:s7] =	ssyncadd.s32 $0xFFFFC000  }
0x1c: {  	[hbm4b:s8+s2] =	stream.linear.scatter [tilespmem:s6], [sflag:$0x2], $0x4000, $0x38;
	[tilespmem:$0x4200] =	vst v63  }
0x1d: {  	_ =	swait.ge [sflag:s3], $0x4000  }
0x1e: {  	[sflag:s3] =	ssyncset.done $0x0  }
.LBB2_2:
0x1f: {  	[sflag:s3] =	ssyncadd.s32 $0xFFFFC000  }
0x20: {  	_ =	sfence.sel $0x180000  }
0x21: {  	[bflag:$0x0] =	sbarrier.arrive $0xFFFF  }
0x22: {  	p0 =	sne.s32 s0, $0x0;
	_ =	strace $0x90000047  }
0x23: {  	s0 =	sadd.s32 @!p0 $0x100000, s1;
	[bflag:$0x2] =	sbarrier.arrive $0xFFFF  }
0x24: {  	[sflag:s0] =	ssyncadd.tile.s32 @!p0 $0x1;
	_ =	shalt  }
.Lfunc_end2:
_tile_overlayer_lowered:
.L_overlay_start_2:
0x25: {  	(tag) =	ssettag $0x2  }
0x26: {  	s0 =	rddreg [dreg:$0x0];
	s2 =	stileid.u32  }
0x27: {  	s1 =	rddreg [dreg:$0x1];
	p0 =	sne.s32 s2, $0x0  }
0x28: {  	s3 =	rddreg [dreg:$0x2];
	[bflag:$0x3] =	sbarrier.arrive $0xFFFF;
	s2 =	simm.s32 @!p0 $0x1C02  }
0x29: {  	[timem:s3], [sflag:s2] =	dma.local @!p0 [hbm:s0], s1  }
0x2a: {  	s0 =	simm.s32 @!p0 $0x2  }
0x2b: {  	_ =	swait.ge @!p0 [sflag:s0], s1  }
0x2c: {  	s1 =	ssub.s32 @!p0 $0x0, s1;
	[sflag:s0] =	ssyncset.done @!p0 $0x0  }
0x2d: {  	[sflag:s0] =	ssyncadd.s32 @!p0 s1  }
0x2e: {  	[bflag:$0x3] =	sbarrier.arrive $0xFFFF  }
0x2f: {  	_ =	shalt  }

</sc_bundles>
